<compile_context>
chip_gen: v7x
topology: tpu7x:2x2x1
jax: 0.10.2.dev20260603
libtpu: 0.0.44.dev20260713+nightly
codegen_flags: <defaults>
</compile_context>

<pallas_src>
import functools

import jax
import jax.numpy as jnp
from jax import lax
from jax.experimental import pallas as pl
from jax.experimental.pallas import tpu as pltpu
from jax.experimental.pallas import tpu_sc as plsc

_NC = 2
_NS = 16
_NW = _NC * _NS
_G = 128
_EPS = 1e-12


def _make_gather(n_rows, d, chj):
    per_w = n_rows // _NW
    n_chunks = per_w // chj
    mesh = plsc.VectorSubcoreMesh(core_axis_name="c", subcore_axis_name="s")

    @functools.partial(
        pl.kernel,
        mesh=mesh,
        out_type=jax.ShapeDtypeStruct((n_rows, _G, d), jnp.float32),
        scratch_types=[
            pltpu.VMEM((chj, _G), jnp.int32),
            pltpu.VMEM((chj, _G, d), jnp.float32),
            pltpu.SemaphoreType.DMA,
        ],
        compiler_params=pltpu.CompilerParams(use_tc_tiling_on_sc=False),
    )
    def gather_k(idx_hbm, table_hbm, out_hbm, idx_v, rows_v, sem):
        wid = lax.axis_index("s") * _NC + lax.axis_index("c")
        base = wid * per_w

        def body(i, carry):
            r0 = base + i * chj
            pltpu.sync_copy(idx_hbm.at[pl.ds(r0, chj)], idx_v)
            handles = [
                pltpu.async_copy(table_hbm.at[idx_v.at[j]], rows_v.at[j], sem)
                for j in range(chj)
            ]
            for h in handles:
                h.wait()
            pltpu.sync_copy(rows_v, out_hbm.at[pl.ds(r0, chj)])
            return carry

        lax.fori_loop(0, n_chunks, body, 0)

    return gather_k


def _ln_pairs_body(x_ref, pe_ref, g_ref, bta_ref, o_ref):
    x = x_ref[...] + pe_ref[...]
    col = lax.broadcasted_iota(jnp.int32, (128, 128), 0) // 64
    row = lax.broadcasted_iota(jnp.int32, (128, 128), 1) // 64
    m = (col == row).astype(jnp.float32)
    mean = jnp.dot(x, m, preferred_element_type=jnp.float32) * (1.0 / 64.0)
    c = x - mean
    var = jnp.dot(c * c, m, preferred_element_type=jnp.float32) * (1.0 / 64.0)
    o_ref[...] = c * lax.rsqrt(var + _EPS) * g_ref[...] + bta_ref[...]


def _make_ln_pairs(rb, rows):
    return pl.pallas_call(
        _ln_pairs_body,
        grid=(rows // rb,),
        in_specs=[
            pl.BlockSpec((rb, 128), lambda i: (i, 0)),
            pl.BlockSpec((rb, 128), lambda i: (0, 0)),
            pl.BlockSpec((1, 128), lambda i: (0, 0)),
            pl.BlockSpec((1, 128), lambda i: (0, 0)),
        ],
        out_specs=pl.BlockSpec((rb, 128), lambda i: (i, 0)),
        out_shape=jax.ShapeDtypeStruct((rows, 128), jnp.float32),
    )


def kernel(input_ids, W_emb, pe, ln_gamma, ln_beta):
    b, l = input_ids.shape
    d = W_emb.shape[1]
    n = b * l
    n_rows = n // _G
    idx = input_ids.reshape(n_rows, _G)
    gathered = _make_gather(n_rows, d, 4)(idx, W_emb)
    rows = n // 2
    x = gathered.reshape(rows, 2 * d)
    rb = 12800
    pe_pairs = jnp.tile(pe[:l].reshape(l // 2, 2 * d), (rb // (l // 2), 1))
    g2 = jnp.concatenate([ln_gamma, ln_gamma]).reshape(1, 2 * d)
    b2 = jnp.concatenate([ln_beta, ln_beta]).reshape(1, 2 * d)
    out = _make_ln_pairs(rb, rows)(x, pe_pairs, g2, b2)
    return out.reshape(b, l, d)

# --- scband reference (transcript-rebuilt; emitter-appended) ---
"""Pipeline reference for scband-embeddings-17540646437213 (READ-ONLY COPY).

The authoritative reference and input builder live on the scoring server;
editing this copy changes nothing except your own understanding.
"""

import jax, jax.numpy as jnp
import numpy as np
import math

VOCAB = 1000000
D = 64
MAX_LEN = 256
B = 4096
L = 200
EPS = 1e-12


def _make_pe(max_len, d_model):
    position = np.arange(max_len, dtype=np.float32)[:, None]
    div_term = np.exp(np.arange(0, d_model, 2, dtype=np.float32) * -(math.log(10000.0) / d_model))
    pe = np.zeros((max_len, d_model), dtype=np.float32)
    pe[:, 0::2] = np.sin(position * div_term)
    pe[:, 1::2] = np.cos(position * div_term)
    return jnp.asarray(pe)


def setup_inputs(seed: int = 0) -> dict:
    key = jax.random.key(seed)
    k1, k2 = jax.random.split(key)
    input_ids = jax.random.randint(k1, (B, L), 0, VOCAB, dtype=jnp.int32)
    W_emb = jax.random.normal(k2, (VOCAB, D), dtype=jnp.float32) * 0.02
    # padding_idx = 0 row zeroed as in nn.Embedding(padding_idx=PAD=0)
    W_emb = W_emb.at[0].set(0.0)
    pe = _make_pe(MAX_LEN, D)
    ln_gamma = jnp.ones((D,), dtype=jnp.float32)
    ln_beta = jnp.zeros((D,), dtype=jnp.float32)
    return {"input_ids": input_ids, "W_emb": W_emb, "pe": pe, "ln_gamma": ln_gamma, "ln_beta": ln_beta}


def reference(input_ids, W_emb, pe, ln_gamma, ln_beta):
    # word embedding lookup
    emb = jnp.take(W_emb, input_ids, axis=0)  # [B, L, D]
    # sinusoidal positional embedding (non-trainable): pe[:, :x.size(1)]
    seq_len = input_ids.shape[1]
    emb = emb + pe[:seq_len][None, :, :]
    # LayerNorm (eval mode, dropout is identity)
    mean = jnp.mean(emb, axis=-1, keepdims=True)
    var = jnp.mean((emb - mean) ** 2, axis=-1, keepdims=True)
    out = (emb - mean) / jnp.sqrt(var + EPS) * ln_gamma + ln_beta
    return out

if __name__ == "__main__":
    import jax
    _d = setup_inputs()
    print(jax.jit(kernel)(*tuple(_d.values())))

</pallas_src>

<mosaic_0001>
#map = affine_map<(d0, d1) -> (0, 0)>
#map1 = affine_map<(d0, d1) -> (0, 0, 0)>
module attributes {stable_mosaic.version = 14 : i64} {
  func.func @gather_k(%arg0: i32, %arg1: i32, %arg2: memref<6400x128xi32, #tpu.memory_space<hbm>>, %arg3: memref<1000000x64xf32, #tpu.memory_space<hbm>>, %arg4: memref<6400x128x64xf32, #tpu.memory_space<hbm>>, %arg5: memref<4x128xi32, #tpu.memory_space<vmem>>, %arg6: memref<4x128x64xf32, #tpu.memory_space<vmem>>, %arg7: memref<!tpu.dma_semaphore, #tpu.memory_space<semaphore_mem>>) attributes {dimension_semantics = [#tpu.dimension_semantics<core_parallel>, #tpu.dimension_semantics<subcore_parallel>], iteration_bounds = array<i64: 2, 16>, scalar_prefetch = 0 : i64, scratch_operands = 3 : i64, tpu.core_type = #tpu.core_type<sc_vector_subcore>, window_params = [{transform_indices = #map}, {transform_indices = #map}, {transform_indices = #map1}]} {
    %mul3A = arith.constant 2 : i32
    %mul3A_0 = arith.muli %arg1, %mul3A : i32
    %add3A = arith.addi %mul3A_0, %arg0 : i32
    %mul3A_1 = arith.constant 200 : i32
    %mul3A_2 = arith.muli %add3A, %mul3A_1 : i32
    %scan3A = arith.constant 0 : i32
    %scan3A_3 = arith.constant 0 : i32
    %scan3A_4 = arith.constant 50 : i32
    %scan3A_5 = arith.addi %scan3A_3, %scan3A_4 : i32
    %scan3A_6 = arith.constant 1 : i32
    scf.for %scan3A_8 = %scan3A_3 to %scan3A_5 step %scan3A_6  : i32 {
      %mul3A_9 = arith.constant 4 : i32
      %mul3A_10 = arith.muli %scan3A_8, %mul3A_9 : i32
      %add3A_11 = arith.addi %mul3A_2, %mul3A_10 : i32
      "tpu.region"() ({
        %run_scoped3A = tpu.sem_alloc : memref<!tpu.dma_semaphore, #tpu.memory_space<semaphore_mem>>
        %dma_start3A_106 = arith.constant 0 : i32
        %dma_start3A_107 = tpu.memref_slice %arg2[%add3A_11, %dma_start3A_106] : memref<6400x128xi32, #tpu.memory_space<hbm>> -> memref<4x128xi32, #tpu.memory_space<hbm>>
        %dma_start3A_108 = arith.constant 0 : i32
        %dma_start3A_109 = tpu.memref_slice %arg2[%add3A_11, %dma_start3A_108] : memref<6400x128xi32, #tpu.memory_space<hbm>> -> memref<4x128xi32, #tpu.memory_space<hbm>>
        tpu.enqueue_dma source(%dma_start3A_109 : memref<4x128xi32, #tpu.memory_space<hbm>>) target(%arg5 : memref<4x128xi32, #tpu.memory_space<vmem>>) target_semaphore(%run_scoped3A : memref<!tpu.dma_semaphore, #tpu.memory_space<semaphore_mem>>)
        %dma_wait3A_110 = arith.constant 0 : i32
        %dma_wait3A_111 = tpu.memref_slice %arg2[%add3A_11, %dma_wait3A_110] : memref<6400x128xi32, #tpu.memory_space<hbm>> -> memref<4x128xi32, #tpu.memory_space<hbm>>
        %dma_wait3A_112 = arith.constant 0 : i32
        %dma_wait3A_113 = tpu.memref_slice %arg2[%add3A_11, %dma_wait3A_112] : memref<6400x128xi32, #tpu.memory_space<hbm>> -> memref<4x128xi32, #tpu.memory_space<hbm>>
        tpu.wait_dma2 semaphore(%run_scoped3A : memref<!tpu.dma_semaphore, #tpu.memory_space<semaphore_mem>>) src(%dma_wait3A_113 : memref<4x128xi32, #tpu.memory_space<hbm>>) dst(%arg5 : memref<4x128xi32, #tpu.memory_space<vmem>>)
        tpu.yield
      }) : () -> ()
      %dma_start3A = arith.constant 0 : i32
      %dma_start3A_12 = arith.constant 0 : i32
      %dma_start3A_13 = arith.constant 0 : i32
      %dma_start3A_14 = arith.constant 0 : i32
      %dma_start3A_15 = tpu.memref_slice %arg6[%dma_start3A_12, %dma_start3A_13, %dma_start3A_14] : memref<4x128x64xf32, #tpu.memory_space<vmem>> -> memref<1x128x64xf32, #tpu.memory_space<vmem>>
      %dma_start3A_16 = tpu.memref_squeeze %dma_start3A_15 : memref<1x128x64xf32, #tpu.memory_space<vmem>> -> memref<128x64xf32, #tpu.memory_space<vmem>>
      %dma_start3A_17 = arith.constant 0 : i32
      %dma_start3A_18 = tpu.memref_slice %arg5[%dma_start3A, %dma_start3A_17] : memref<4x128xi32, #tpu.memory_space<vmem>> -> memref<1x128xi32, #tpu.memory_space<vmem>>
      %dma_start3A_19 = tpu.memref_squeeze %dma_start3A_18 : memref<1x128xi32, #tpu.memory_space<vmem>> -> memref<128xi32, #tpu.memory_space<vmem>>
      %dma_start3A_20 = arith.constant 0 : i32
      %dma_start3A_21 = arith.constant 0 : i32
      %dma_start3A_22 = tpu.memref_slice %arg3[%dma_start3A_20, %dma_start3A_21] : memref<1000000x64xf32, #tpu.memory_space<hbm>> -> memref<1000000x64xf32, #tpu.memory_space<hbm>>
      tpu.enqueue_indirect_dma source(%dma_start3A_22 : memref<1000000x64xf32, #tpu.memory_space<hbm>>) target(%dma_start3A_16 : memref<128x64xf32, #tpu.memory_space<vmem>>) offsets(%dma_start3A_19 : memref<128xi32, #tpu.memory_space<vmem>>) semaphore(%arg7 : memref<!tpu.dma_semaphore, #tpu.memory_space<semaphore_mem>>)
      %dma_start3A_23 = arith.constant 1 : i32
      %dma_start3A_24 = arith.constant 1 : i32
      %dma_start3A_25 = arith.constant 0 : i32
      %dma_start3A_26 = arith.constant 0 : i32
      %dma_start3A_27 = tpu.memref_slice %arg6[%dma_start3A_24, %dma_start3A_25, %dma_start3A_26] : memref<4x128x64xf32, #tpu.memory_space<vmem>> -> memref<1x128x64xf32, #tpu.memory_space<vmem>>
      %dma_start3A_28 = tpu.memref_squeeze %dma_start3A_27 : memref<1x128x64xf32, #tpu.memory_space<vmem>> -> memref<128x64xf32, #tpu.memory_space<vmem>>
      %dma_start3A_29 = arith.constant 0 : i32
      %dma_start3A_30 = tpu.memref_slice %arg5[%dma_start3A_23, %dma_start3A_29] : memref<4x128xi32, #tpu.memory_space<vmem>> -> memref<1x128xi32, #tpu.memory_space<vmem>>
      %dma_start3A_31 = tpu.memref_squeeze %dma_start3A_30 : memref<1x128xi32, #tpu.memory_space<vmem>> -> memref<128xi32, #tpu.memory_space<vmem>>
      %dma_start3A_32 = arith.constant 0 : i32
      %dma_start3A_33 = arith.constant 0 : i32
      %dma_start3A_34 = tpu.memref_slice %arg3[%dma_start3A_32, %dma_start3A_33] : memref<1000000x64xf32, #tpu.memory_space<hbm>> -> memref<1000000x64xf32, #tpu.memory_space<hbm>>
      tpu.enqueue_indirect_dma source(%dma_start3A_34 : memref<1000000x64xf32, #tpu.memory_space<hbm>>) target(%dma_start3A_28 : memref<128x64xf32, #tpu.memory_space<vmem>>) offsets(%dma_start3A_31 : memref<128xi32, #tpu.memory_space<vmem>>) semaphore(%arg7 : memref<!tpu.dma_semaphore, #tpu.memory_space<semaphore_mem>>)
      %dma_start3A_35 = arith.constant 2 : i32
      %dma_start3A_36 = arith.constant 2 : i32
      %dma_start3A_37 = arith.constant 0 : i32
      %dma_start3A_38 = arith.constant 0 : i32
      %dma_start3A_39 = tpu.memref_slice %arg6[%dma_start3A_36, %dma_start3A_37, %dma_start3A_38] : memref<4x128x64xf32, #tpu.memory_space<vmem>> -> memref<1x128x64xf32, #tpu.memory_space<vmem>>
      %dma_start3A_40 = tpu.memref_squeeze %dma_start3A_39 : memref<1x128x64xf32, #tpu.memory_space<vmem>> -> memref<128x64xf32, #tpu.memory_space<vmem>>
      %dma_start3A_41 = arith.constant 0 : i32
      %dma_start3A_42 = tpu.memref_slice %arg5[%dma_start3A_35, %dma_start3A_41] : memref<4x128xi32, #tpu.memory_space<vmem>> -> memref<1x128xi32, #tpu.memory_space<vmem>>
      %dma_start3A_43 = tpu.memref_squeeze %dma_start3A_42 : memref<1x128xi32, #tpu.memory_space<vmem>> -> memref<128xi32, #tpu.memory_space<vmem>>
      %dma_start3A_44 = arith.constant 0 : i32
      %dma_start3A_45 = arith.constant 0 : i32
      %dma_start3A_46 = tpu.memref_slice %arg3[%dma_start3A_44, %dma_start3A_45] : memref<1000000x64xf32, #tpu.memory_space<hbm>> -> memref<1000000x64xf32, #tpu.memory_space<hbm>>
      tpu.enqueue_indirect_dma source(%dma_start3A_46 : memref<1000000x64xf32, #tpu.memory_space<hbm>>) target(%dma_start3A_40 : memref<128x64xf32, #tpu.memory_space<vmem>>) offsets(%dma_start3A_43 : memref<128xi32, #tpu.memory_space<vmem>>) semaphore(%arg7 : memref<!tpu.dma_semaphore, #tpu.memory_space<semaphore_mem>>)
      %dma_start3A_47 = arith.constant 3 : i32
      %dma_start3A_48 = arith.constant 3 : i32
      %dma_start3A_49 = arith.constant 0 : i32
      %dma_start3A_50 = arith.constant 0 : i32
      %dma_start3A_51 = tpu.memref_slice %arg6[%dma_start3A_48, %dma_start3A_49, %dma_start3A_50] : memref<4x128x64xf32, #tpu.memory_space<vmem>> -> memref<1x128x64xf32, #tpu.memory_space<vmem>>
      %dma_start3A_52 = tpu.memref_squeeze %dma_start3A_51 : memref<1x128x64xf32, #tpu.memory_space<vmem>> -> memref<128x64xf32, #tpu.memory_space<vmem>>
      %dma_start3A_53 = arith.constant 0 : i32
      %dma_start3A_54 = tpu.memref_slice %arg5[%dma_start3A_47, %dma_start3A_53] : memref<4x128xi32, #tpu.memory_space<vmem>> -> memref<1x128xi32, #tpu.memory_space<vmem>>
      %dma_start3A_55 = tpu.memref_squeeze %dma_start3A_54 : memref<1x128xi32, #tpu.memory_space<vmem>> -> memref<128xi32, #tpu.memory_space<vmem>>
      %dma_start3A_56 = arith.constant 0 : i32
      %dma_start3A_57 = arith.constant 0 : i32
      %dma_start3A_58 = tpu.memref_slice %arg3[%dma_start3A_56, %dma_start3A_57] : memref<1000000x64xf32, #tpu.memory_space<hbm>> -> memref<1000000x64xf32, #tpu.memory_space<hbm>>
      tpu.enqueue_indirect_dma source(%dma_start3A_58 : memref<1000000x64xf32, #tpu.memory_space<hbm>>) target(%dma_start3A_52 : memref<128x64xf32, #tpu.memory_space<vmem>>) offsets(%dma_start3A_55 : memref<128xi32, #tpu.memory_space<vmem>>) semaphore(%arg7 : memref<!tpu.dma_semaphore, #tpu.memory_space<semaphore_mem>>)
      %dma_wait3A = arith.constant 0 : i32
      %dma_wait3A_59 = arith.constant 0 : i32
      %dma_wait3A_60 = arith.constant 0 : i32
      %dma_wait3A_61 = arith.constant 0 : i32
      %dma_wait3A_62 = tpu.memref_slice %arg6[%dma_wait3A_59, %dma_wait3A_60, %dma_wait3A_61] : memref<4x128x64xf32, #tpu.memory_space<vmem>> -> memref<1x128x64xf32, #tpu.memory_space<vmem>>
      %dma_wait3A_63 = tpu.memref_squeeze %dma_wait3A_62 : memref<1x128x64xf32, #tpu.memory_space<vmem>> -> memref<128x64xf32, #tpu.memory_space<vmem>>
      %dma_wait3A_64 = arith.constant 0 : i32
      %dma_wait3A_65 = tpu.memref_slice %arg5[%dma_wait3A, %dma_wait3A_64] : memref<4x128xi32, #tpu.memory_space<vmem>> -> memref<1x128xi32, #tpu.memory_space<vmem>>
      %dma_wait3A_66 = tpu.memref_squeeze %dma_wait3A_65 : memref<1x128xi32, #tpu.memory_space<vmem>> -> memref<128xi32, #tpu.memory_space<vmem>>
      %dma_wait3A_67 = arith.constant 0 : i32
      %dma_wait3A_68 = arith.constant 0 : i32
      %dma_wait3A_69 = tpu.memref_slice %arg3[%dma_wait3A_67, %dma_wait3A_68] : memref<1000000x64xf32, #tpu.memory_space<hbm>> -> memref<1000000x64xf32, #tpu.memory_space<hbm>>
      tpu.wait_indirect_dma semaphore(%arg7 : memref<!tpu.dma_semaphore, #tpu.memory_space<semaphore_mem>>) src(%dma_wait3A_69 : memref<1000000x64xf32, #tpu.memory_space<hbm>>) dst(%dma_wait3A_63 : memref<128x64xf32, #tpu.memory_space<vmem>>)
      %dma_wait3A_70 = arith.constant 1 : i32
      %dma_wait3A_71 = arith.constant 1 : i32
      %dma_wait3A_72 = arith.constant 0 : i32
      %dma_wait3A_73 = arith.constant 0 : i32
      %dma_wait3A_74 = tpu.memref_slice %arg6[%dma_wait3A_71, %dma_wait3A_72, %dma_wait3A_73] : memref<4x128x64xf32, #tpu.memory_space<vmem>> -> memref<1x128x64xf32, #tpu.memory_space<vmem>>
      %dma_wait3A_75 = tpu.memref_squeeze %dma_wait3A_74 : memref<1x128x64xf32, #tpu.memory_space<vmem>> -> memref<128x64xf32, #tpu.memory_space<vmem>>
      %dma_wait3A_76 = arith.constant 0 : i32
      %dma_wait3A_77 = tpu.memref_slice %arg5[%dma_wait3A_70, %dma_wait3A_76] : memref<4x128xi32, #tpu.memory_space<vmem>> -> memref<1x128xi32, #tpu.memory_space<vmem>>
      %dma_wait3A_78 = tpu.memref_squeeze %dma_wait3A_77 : memref<1x128xi32, #tpu.memory_space<vmem>> -> memref<128xi32, #tpu.memory_space<vmem>>
      %dma_wait3A_79 = arith.constant 0 : i32
      %dma_wait3A_80 = arith.constant 0 : i32
      %dma_wait3A_81 = tpu.memref_slice %arg3[%dma_wait3A_79, %dma_wait3A_80] : memref<1000000x64xf32, #tpu.memory_space<hbm>> -> memref<1000000x64xf32, #tpu.memory_space<hbm>>
      tpu.wait_indirect_dma semaphore(%arg7 : memref<!tpu.dma_semaphore, #tpu.memory_space<semaphore_mem>>) src(%dma_wait3A_81 : memref<1000000x64xf32, #tpu.memory_space<hbm>>) dst(%dma_wait3A_75 : memref<128x64xf32, #tpu.memory_space<vmem>>)
      %dma_wait3A_82 = arith.constant 2 : i32
      %dma_wait3A_83 = arith.constant 2 : i32
      %dma_wait3A_84 = arith.constant 0 : i32
      %dma_wait3A_85 = arith.constant 0 : i32
      %dma_wait3A_86 = tpu.memref_slice %arg6[%dma_wait3A_83, %dma_wait3A_84, %dma_wait3A_85] : memref<4x128x64xf32, #tpu.memory_space<vmem>> -> memref<1x128x64xf32, #tpu.memory_space<vmem>>
      %dma_wait3A_87 = tpu.memref_squeeze %dma_wait3A_86 : memref<1x128x64xf32, #tpu.memory_space<vmem>> -> memref<128x64xf32, #tpu.memory_space<vmem>>
      %dma_wait3A_88 = arith.constant 0 : i32
      %dma_wait3A_89 = tpu.memref_slice %arg5[%dma_wait3A_82, %dma_wait3A_88] : memref<4x128xi32, #tpu.memory_space<vmem>> -> memref<1x128xi32, #tpu.memory_space<vmem>>
      %dma_wait3A_90 = tpu.memref_squeeze %dma_wait3A_89 : memref<1x128xi32, #tpu.memory_space<vmem>> -> memref<128xi32, #tpu.memory_space<vmem>>
      %dma_wait3A_91 = arith.constant 0 : i32
      %dma_wait3A_92 = arith.constant 0 : i32
      %dma_wait3A_93 = tpu.memref_slice %arg3[%dma_wait3A_91, %dma_wait3A_92] : memref<1000000x64xf32, #tpu.memory_space<hbm>> -> memref<1000000x64xf32, #tpu.memory_space<hbm>>
      tpu.wait_indirect_dma semaphore(%arg7 : memref<!tpu.dma_semaphore, #tpu.memory_space<semaphore_mem>>) src(%dma_wait3A_93 : memref<1000000x64xf32, #tpu.memory_space<hbm>>) dst(%dma_wait3A_87 : memref<128x64xf32, #tpu.memory_space<vmem>>)
      %dma_wait3A_94 = arith.constant 3 : i32
      %dma_wait3A_95 = arith.constant 3 : i32
      %dma_wait3A_96 = arith.constant 0 : i32
      %dma_wait3A_97 = arith.constant 0 : i32
      %dma_wait3A_98 = tpu.memref_slice %arg6[%dma_wait3A_95, %dma_wait3A_96, %dma_wait3A_97] : memref<4x128x64xf32, #tpu.memory_space<vmem>> -> memref<1x128x64xf32, #tpu.memory_space<vmem>>
      %dma_wait3A_99 = tpu.memref_squeeze %dma_wait3A_98 : memref<1x128x64xf32, #tpu.memory_space<vmem>> -> memref<128x64xf32, #tpu.memory_space<vmem>>
      %dma_wait3A_100 = arith.constant 0 : i32
      %dma_wait3A_101 = tpu.memref_slice %arg5[%dma_wait3A_94, %dma_wait3A_100] : memref<4x128xi32, #tpu.memory_space<vmem>> -> memref<1x128xi32, #tpu.memory_space<vmem>>
      %dma_wait3A_102 = tpu.memref_squeeze %dma_wait3A_101 : memref<1x128xi32, #tpu.memory_space<vmem>> -> memref<128xi32, #tpu.memory_space<vmem>>
      %dma_wait3A_103 = arith.constant 0 : i32
      %dma_wait3A_104 = arith.constant 0 : i32
      %dma_wait3A_105 = tpu.memref_slice %arg3[%dma_wait3A_103, %dma_wait3A_104] : memref<1000000x64xf32, #tpu.memory_space<hbm>> -> memref<1000000x64xf32, #tpu.memory_space<hbm>>
      tpu.wait_indirect_dma semaphore(%arg7 : memref<!tpu.dma_semaphore, #tpu.memory_space<semaphore_mem>>) src(%dma_wait3A_105 : memref<1000000x64xf32, #tpu.memory_space<hbm>>) dst(%dma_wait3A_99 : memref<128x64xf32, #tpu.memory_space<vmem>>)
      "tpu.region"() ({
        %run_scoped3A = tpu.sem_alloc : memref<!tpu.dma_semaphore, #tpu.memory_space<semaphore_mem>>
        %dma_start3A_106 = arith.constant 0 : i32
        %dma_start3A_107 = arith.constant 0 : i32
        %dma_start3A_108 = tpu.memref_slice %arg4[%add3A_11, %dma_start3A_106, %dma_start3A_107] : memref<6400x128x64xf32, #tpu.memory_space<hbm>> -> memref<4x128x64xf32, #tpu.memory_space<hbm>>
        %dma_start3A_109 = arith.constant 0 : i32
        %dma_start3A_110 = arith.constant 0 : i32
        %dma_start3A_111 = tpu.memref_slice %arg4[%add3A_11, %dma_start3A_109, %dma_start3A_110] : memref<6400x128x64xf32, #tpu.memory_space<hbm>> -> memref<4x128x64xf32, #tpu.memory_space<hbm>>
        tpu.enqueue_dma source(%arg6 : memref<4x128x64xf32, #tpu.memory_space<vmem>>) target(%dma_start3A_111 : memref<4x128x64xf32, #tpu.memory_space<hbm>>) target_semaphore(%run_scoped3A : memref<!tpu.dma_semaphore, #tpu.memory_space<semaphore_mem>>)
        %dma_wait3A_112 = arith.constant 0 : i32
        %dma_wait3A_113 = arith.constant 0 : i32
        %dma_wait3A_114 = tpu.memref_slice %arg4[%add3A_11, %dma_wait3A_112, %dma_wait3A_113] : memref<6400x128x64xf32, #tpu.memory_space<hbm>> -> memref<4x128x64xf32, #tpu.memory_space<hbm>>
        %dma_wait3A_115 = arith.constant 0 : i32
        %dma_wait3A_116 = arith.constant 0 : i32
        %dma_wait3A_117 = tpu.memref_slice %arg4[%add3A_11, %dma_wait3A_115, %dma_wait3A_116] : memref<6400x128x64xf32, #tpu.memory_space<hbm>> -> memref<4x128x64xf32, #tpu.memory_space<hbm>>
        tpu.wait_dma2 semaphore(%run_scoped3A : memref<!tpu.dma_semaphore, #tpu.memory_space<semaphore_mem>>) src(%arg6 : memref<4x128x64xf32, #tpu.memory_space<vmem>>) dst(%dma_wait3A_117 : memref<4x128x64xf32, #tpu.memory_space<hbm>>)
        tpu.yield
      }) : () -> ()
    }
    %scan3A_7 = arith.constant 50 : i32
    return
  }
}

module attributes {stable_mosaic.version = 14 : i64} {
  func.func @_ln_pairs_body(%arg0: i32, %arg1: memref<12800x128xf32, #tpu.memory_space<vmem>>, %arg2: memref<12800x128xf32, #tpu.memory_space<vmem>>, %arg3: memref<1x128xf32, #tpu.memory_space<vmem>>, %arg4: memref<1x128xf32, #tpu.memory_space<vmem>>, %arg5: memref<12800x128xf32, #tpu.memory_space<vmem>>) attributes {dimension_semantics = [#tpu.dimension_semantics<arbitrary>], iteration_bounds = array<i64: 32>, scalar_prefetch = 0 : i64, scratch_operands = 0 : i64, tpu.core_type = #tpu.core_type<tc>, window_params = [{transform_indices = @transform_0, window_bounds = array<i64: 12800, 128>}, {pipeline_mode = #tpu.pipeline_mode<synchronous>, transform_indices = @transform_1, window_bounds = array<i64: 12800, 128>}, {pipeline_mode = #tpu.pipeline_mode<synchronous>, transform_indices = @transform_2, window_bounds = array<i64: 1, 128>}, {pipeline_mode = #tpu.pipeline_mode<synchronous>, transform_indices = @transform_3, window_bounds = array<i64: 1, 128>}, {transform_indices = @transform_4, window_bounds = array<i64: 12800, 128>}]} {
    %get3A = arith.constant 0 : index
    %get3A_0 = arith.constant 0 : index
    %get3A_1 = vector.load %arg1[%get3A, %get3A_0] : memref<12800x128xf32, #tpu.memory_space<vmem>>, vector<12800x128xf32>
    %get3A_2 = arith.constant 0 : index
    %get3A_3 = arith.constant 0 : index
    %get3A_4 = vector.load %arg2[%get3A_2, %get3A_3] : memref<12800x128xf32, #tpu.memory_space<vmem>>, vector<12800x128xf32>
    %add3A = arith.addf %get3A_1, %get3A_4 : vector<12800x128xf32>
    %iota3A = tpu.iota {dimensions = array<i32: 0>} : vector<128x128xi32>
    %jit3A = arith.constant 64 : i32
    %div3A = vector.broadcast %jit3A : i32 to vector<128x128xi32>
    %div3A_5 = arith.divsi %iota3A, %div3A : vector<128x128xi32>
    %sign3A = arith.constant 0 : i32
    %sign3A_6 = vector.broadcast %sign3A : i32 to vector<128x128xi32>
    %sign3A_7 = arith.cmpi sgt, %iota3A, %sign3A_6 : vector<128x128xi32>
    %sign3A_8 = arith.extui %sign3A_7 : vector<128x128xi1> to vector<128x128xi32>
    %sign3A_9 = arith.constant 0 : i32
    %sign3A_10 = vector.broadcast %sign3A_9 : i32 to vector<128x128xi32>
    %sign3A_11 = arith.cmpi slt, %iota3A, %sign3A_10 : vector<128x128xi32>
    %sign3A_12 = arith.extui %sign3A_11 : vector<128x128xi1> to vector<128x128xi32>
    %sign3A_13 = arith.subi %sign3A_8, %sign3A_12 : vector<128x128xi32>
    %sign3A_14 = arith.constant 0 : i32
    %sign3A_15 = arith.cmpi sgt, %jit3A, %sign3A_14 : i32
    %sign3A_16 = arith.extui %sign3A_15 : i1 to i32
    %sign3A_17 = arith.constant 0 : i32
    %sign3A_18 = arith.cmpi slt, %jit3A, %sign3A_17 : i32
    %sign3A_19 = arith.extui %sign3A_18 : i1 to i32
    %sign3A_20 = arith.subi %sign3A_16, %sign3A_19 : i32
    %ne3A = vector.broadcast %sign3A_20 : i32 to vector<128x128xi32>
    %ne3A_21 = arith.cmpi ne, %sign3A_13, %ne3A : vector<128x128xi32>
    %rem3A = vector.broadcast %jit3A : i32 to vector<128x128xi32>
    %rem3A_22 = arith.remsi %iota3A, %rem3A : vector<128x128xi32>
    %ne3A_23 = arith.constant 0 : i32
    %ne3A_24 = vector.broadcast %ne3A_23 : i32 to vector<128x128xi32>
    %ne3A_25 = arith.cmpi ne, %rem3A_22, %ne3A_24 : vector<128x128xi32>
    %and3A = arith.andi %ne3A_21, %ne3A_25 : vector<128x128xi1>
    %sub3A = arith.constant 1 : i32
    %sub3A_26 = vector.broadcast %sub3A : i32 to vector<128x128xi32>
    %sub3A_27 = arith.subi %div3A_5, %sub3A_26 : vector<128x128xi32>
    %select_n3A = arith.select %and3A, %sub3A_27, %div3A_5 : vector<128x128xi1>, vector<128x128xi32>
    %iota3A_28 = tpu.iota {dimensions = array<i32: 1>} : vector<128x128xi32>
    %jit3A_29 = arith.constant 64 : i32
    %div3A_30 = vector.broadcast %jit3A_29 : i32 to vector<128x128xi32>
    %div3A_31 = arith.divsi %iota3A_28, %div3A_30 : vector<128x128xi32>
    %sign3A_32 = arith.constant 0 : i32
    %sign3A_33 = vector.broadcast %sign3A_32 : i32 to vector<128x128xi32>
    %sign3A_34 = arith.cmpi sgt, %iota3A_28, %sign3A_33 : vector<128x128xi32>
    %sign3A_35 = arith.extui %sign3A_34 : vector<128x128xi1> to vector<128x128xi32>
    %sign3A_36 = arith.constant 0 : i32
    %sign3A_37 = vector.broadcast %sign3A_36 : i32 to vector<128x128xi32>
    %sign3A_38 = arith.cmpi slt, %iota3A_28, %sign3A_37 : vector<128x128xi32>
    %sign3A_39 = arith.extui %sign3A_38 : vector<128x128xi1> to vector<128x128xi32>
    %sign3A_40 = arith.subi %sign3A_35, %sign3A_39 : vector<128x128xi32>
    %sign3A_41 = arith.constant 0 : i32
    %sign3A_42 = arith.cmpi sgt, %jit3A_29, %sign3A_41 : i32
    %sign3A_43 = arith.extui %sign3A_42 : i1 to i32
    %sign3A_44 = arith.constant 0 : i32
    %sign3A_45 = arith.cmpi slt, %jit3A_29, %sign3A_44 : i32
    %sign3A_46 = arith.extui %sign3A_45 : i1 to i32
    %sign3A_47 = arith.subi %sign3A_43, %sign3A_46 : i32
    %ne3A_48 = vector.broadcast %sign3A_47 : i32 to vector<128x128xi32>
    %ne3A_49 = arith.cmpi ne, %sign3A_40, %ne3A_48 : vector<128x128xi32>
    %rem3A_50 = vector.broadcast %jit3A_29 : i32 to vector<128x128xi32>
    %rem3A_51 = arith.remsi %iota3A_28, %rem3A_50 : vector<128x128xi32>
    %ne3A_52 = arith.constant 0 : i32
    %ne3A_53 = vector.broadcast %ne3A_52 : i32 to vector<128x128xi32>
    %ne3A_54 = arith.cmpi ne, %rem3A_51, %ne3A_53 : vector<128x128xi32>
    %and3A_55 = arith.andi %ne3A_49, %ne3A_54 : vector<128x128xi1>
    %sub3A_56 = arith.constant 1 : i32
    %sub3A_57 = vector.broadcast %sub3A_56 : i32 to vector<128x128xi32>
    %sub3A_58 = arith.subi %div3A_31, %sub3A_57 : vector<128x128xi32>
    %select_n3A_59 = arith.select %and3A_55, %sub3A_58, %div3A_31 : vector<128x128xi1>, vector<128x128xi32>
    %eq3A = arith.cmpi eq, %select_n3A, %select_n3A_59 : vector<128x128xi32>
    %convert_element_type3A = arith.extui %eq3A : vector<128x128xi1> to vector<128x128xi32>
    %convert_element_type3A_60 = arith.sitofp %convert_element_type3A : vector<128x128xi32> to vector<128x128xf32>
    %dot_general3A = arith.constant dense<0.000000e+00> : vector<12800x128xf32>
    %dot_general3A_61 = tpu.matmul %add3A, %convert_element_type3A_60, %dot_general3A {dimension_numbers = #tpu.dot_dimension_numbers<[1], [0], [0], [1], [0, 0, 1, 1], [], []>, transpose_lhs_hint = false} : vector<12800x128xf32>, vector<128x128xf32>, vector<12800x128xf32> -> vector<12800x128xf32>
    %mul3A = arith.constant 1.562500e-02 : f32
    %mul3A_62 = vector.broadcast %mul3A : f32 to vector<12800x128xf32>
    %mul3A_63 = arith.mulf %dot_general3A_61, %mul3A_62 : vector<12800x128xf32>
    %sub3A_64 = arith.subf %add3A, %mul3A_63 : vector<12800x128xf32>
    %mul3A_65 = arith.mulf %sub3A_64, %sub3A_64 : vector<12800x128xf32>
    %dot_general3A_66 = arith.constant dense<0.000000e+00> : vector<12800x128xf32>
    %dot_general3A_67 = tpu.matmul %mul3A_65, %convert_element_type3A_60, %dot_general3A_66 {dimension_numbers = #tpu.dot_dimension_numbers<[1], [0], [0], [1], [0, 0, 1, 1], [], []>, transpose_lhs_hint = false} : vector<12800x128xf32>, vector<128x128xf32>, vector<12800x128xf32> -> vector<12800x128xf32>
    %mul3A_68 = arith.constant 1.562500e-02 : f32
    %mul3A_69 = vector.broadcast %mul3A_68 : f32 to vector<12800x128xf32>
    %mul3A_70 = arith.mulf %dot_general3A_67, %mul3A_69 : vector<12800x128xf32>
    %add3A_71 = arith.constant 9.99999996E-13 : f32
    %add3A_72 = vector.broadcast %add3A_71 : f32 to vector<12800x128xf32>
    %add3A_73 = arith.addf %mul3A_70, %add3A_72 : vector<12800x128xf32>
    %rsqrt3A = math.rsqrt %add3A_73 : vector<12800x128xf32>
    %mul3A_74 = arith.mulf %sub3A_64, %rsqrt3A : vector<12800x128xf32>
    %get3A_75 = arith.constant 0 : index
    %get3A_76 = arith.constant 0 : index
    %get3A_77 = vector.load %arg3[%get3A_75, %get3A_76] : memref<1x128xf32, #tpu.memory_space<vmem>>, vector<1x128xf32>
    %mul3A_78 = vector.broadcast %get3A_77 : vector<1x128xf32> to vector<12800x128xf32>
    %mul3A_79 = arith.mulf %mul3A_74, %mul3A_78 : vector<12800x128xf32>
    %get3A_80 = arith.constant 0 : index
    %get3A_81 = arith.constant 0 : index
    %get3A_82 = vector.load %arg4[%get3A_80, %get3A_81] : memref<1x128xf32, #tpu.memory_space<vmem>>, vector<1x128xf32>
    %add3A_83 = vector.broadcast %get3A_82 : vector<1x128xf32> to vector<12800x128xf32>
    %add3A_84 = arith.addf %mul3A_79, %add3A_83 : vector<12800x128xf32>
    %swap3A = arith.constant 0 : index
    %swap3A_85 = arith.constant 0 : index
    %swap3A_86 = vector.load %arg5[%swap3A, %swap3A_85] : memref<12800x128xf32, #tpu.memory_space<vmem>>, vector<12800x128xf32>
    tpu.vector_store %arg5[%swap3A, %swap3A_85], %add3A_84 {strides = array<i32>} : memref<12800x128xf32, #tpu.memory_space<vmem>>, vector<12800x128xf32>,
    return
  }
  func.func @transform_0(%arg0: i32) -> (i32, i32) {
    %c0_i32 = arith.constant 0 : i32
    %c0_i32_0 = arith.constant 0 : i32
    return %arg0, %c0_i32 : i32, i32
  }
  func.func @transform_1(%arg0: i32) -> (i32, i32) {
    %c0_i32 = arith.constant 0 : i32
    %c0_i32_0 = arith.constant 0 : i32
    %c0_i32_1 = arith.constant 0 : i32
    return %c0_i32, %c0_i32_0 : i32, i32
  }
  func.func @transform_2(%arg0: i32) -> (i32, i32) {
    %c0_i32 = arith.constant 0 : i32
    %c0_i32_0 = arith.constant 0 : i32
    %c0_i32_1 = arith.constant 0 : i32
    return %c0_i32, %c0_i32_0 : i32, i32
  }
  func.func @transform_3(%arg0: i32) -> (i32, i32) {
    %c0_i32 = arith.constant 0 : i32
    %c0_i32_0 = arith.constant 0 : i32
    %c0_i32_1 = arith.constant 0 : i32
    return %c0_i32, %c0_i32_0 : i32, i32
  }
  func.func @transform_4(%arg0: i32) -> (i32, i32) {
    %c0_i32 = arith.constant 0 : i32
    %c0_i32_0 = arith.constant 0 : i32
    return %arg0, %c0_i32 : i32, i32
  }
}

</mosaic_0001>

<sc_bundles>
// kernel: kernel.4.cloned.1.call-start
scs
__scs_entry_jumppad:
0x0: {  	(pc) =	sbr.rel $0x88, $3  }
0x1: {  	(tag) =	ssettag $0x0;
	lr =	simm.s32 $0x1  }
0x2: {  	[smem:$0x3F9C] =	sst lr;
	_ =	strace $0xD0000000  }
0x3: {  	_ = 	snop  }
0x4: {  	_ = 	snop  }
0x5: {  	_ = 	snop  }
0x6: {  	_ = 	snop  }
0x7: {  	_ = 	snop  }
__scs_overlays_trampoline_lowered:
0x8: {  	[smem:$0x3FAB] =	sst s0  }
0x9: {  	[smem:$0x3FAC] =	sst s1  }
0xa: {  	[smem:$0x3FAD] =	sst s2  }
0xb: {  	[smem:$0x3FAE] =	sst s3  }
0xc: {  	[smem:$0x3FAF] =	sst s4  }
0xd: {  	[smem:$0x3FB0] =	sst s5  }
0xe: {  	[smem:$0x3FB1] =	sst s6  }
0xf: {  	[smem:$0x3FB2] =	sst s7  }
0x10: {  	[smem:$0x3FB3] =	sst s8  }
0x11: {  	[smem:$0x3FB4] =	sst s9;
	s0 =	simm.s32 @!p0 $0x0  }
0x12: {  	s1 =	sld [smem:$0x3F9A];
	s0 =	simm.s32 @p0 $0x1  }
0x13: {  	[smem:$0x3FB5] =	sst s0;
	s0 =	simm.s32 @!p1 $0x0  }
0x14: {  	s2 =	sld [smem:$0x3F99];
	s0 =	simm.s32 @p1 $0x1  }
0x15: {  	[smem:$0x3FB6] =	sst s0;
	s0 =	simm.s32 @!p2 $0x0  }
0x16: {  	s3 =	sld [smem:$0x3FDB];
	s0 =	simm.s32 @p2 $0x1  }
0x17: {  	s4 =	simm.s32 $0x1BF5;
	[smem:$0x3FB8] =	sst s0  }
0x18: {  	s0 =	sld [smem:$0x3F9B];
	_ =	swait.ge [sflag:s4], $0x0  }
0x19: {  	s7 =	sld [smem:$0x3F9C]  }
0x1a: {  	s8 =	sadd.s32 $0xFFFFE003, lr  }
0x1b: {  	s9 =	sadd.s32 $0xFFFFFEF7, lr;
	s5 =	simm.s32 $0xFFFFFFFF;
	p2 =	slt.u32 s8, $0xFFFFF086  }
0x1c: {  	p1 =	slt.u32 s9, $0xF7A;
	s5 =	simm.s32 @!p2 $0x0  }
0x1d: {  	s5 =	simm.s32 @p1 $0x1;
	p0 =	seq.s32 s7, s2  }
0x1e: {  	s7 =	smul.u32 @!p0 $0xF7A, s2;
	p2 =	seq.s32 @!p0 s5, $0x0  }
0x1f: {  	s9 =	smul.u32 $0xF7A, s1;
	s8 =	simm.s32 @!p0 $0x1BF5;
	p2 =	por !p2, p0  }
0x20: {  	[sflag:s8] =	ssyncset.s32 @!p0 $0xFFFFF086;
	s6 =	sadd.s32 @!p0 s3, s7;
	s7 =	simm.s32 @!p0 $0x108  }
0x21: {  	s3 =	sadd.s32 s3, s9;
	s6 =	sadd.s32 @!p0 $0x88, s6;
	s7 =	simm.s32 @p2 $0x1082  }
0x22: {  	[simem:s7], [sflag:s8] =	dma.local @!p0 [hbm:s6], $0xF7A  }
0x23: {  	s9 =	sor.u32 $0xD0000000, s2;
	s6 =	simm.s32 $0x108;
	_ =	swait.ge @!p0 [sflag:s8], $0x0  }
0x24: {  	s3 =	sadd.s32 $0x88, s3;
	s6 =	simm.s32 @!p1 $0x1082;
	[sflag:s4] =	ssyncset.s32 $0xFFFFF086  }
0x25: {  	[simem:s6], [sflag:s4] =	dma.local [hbm:s3], $0xF7A  }
0x26: {  	[smem:$0x3F9C] =	sst s1;
	(tag) =	ssettag s2;
	_ =	strace s9  }
0x27: {  	s1 =	sld [smem:$0x3FAC]  }
0x28: {  	s2 =	sld [smem:$0x3FAD]  }
0x29: {  	s4 =	sld [smem:$0x3FAF]  }
0x2a: {  	p0 =	seq.s32 s5, $0x0;
	s5 =	sld [smem:$0x3FB0]  }
0x2b: {  	s6 =	sld [smem:$0x3FB1]  }
0x2c: {  	s7 =	sld [smem:$0x3FB2]  }
0x2d: {  	s3 =	simm.s32 $0x108;
	s8 =	sld [smem:$0x3FB3]  }
0x2e: {  	s3 =	simm.s32 @!p0 $0x1082;
	s9 =	sld [smem:$0x3FB4]  }
0x2f: {  	lr =	sadd.s32 s0, s3;
	s0 =	sld [smem:$0x3FAB]  }
0x30: {  	s3 =	sld [smem:$0x3FAE]  }
0x31: {  	[smem:$0x3FB7] =	sst s10  }
0x32: {  	s10 =	sld [smem:$0x3FB5];
	_ =	sdelay $0x3  }
0x33: {  	p0 =	seq.s32 s10, $0x1;
	s10 =	sld [smem:$0x3FB7];
	_ =	sdelay $0x3  }
0x34: {  	[smem:$0x3FB7] =	sst s10  }
0x35: {  	s10 =	sld [smem:$0x3FB6];
	_ =	sdelay $0x3  }
0x36: {  	p1 =	seq.s32 s10, $0x1;
	s10 =	sld [smem:$0x3FB7];
	_ =	sdelay $0x3  }
0x37: {  	[smem:$0x3FB7] =	sst s10  }
0x38: {  	s10 =	sld [smem:$0x3FB8]  }
0x39: {  	_ = 	snop;
	(pc) =	sbr.ind lr, $3  }
0x3a: {  	_ = 	snop  }
0x3b: {  	_ = 	snop  }
0x3c: {  	p2 =	seq.s32 s10, $0x1;
	s10 =	sld [smem:$0x3FB7]  }
0x3d: {  	_ =	shalt  }
0x3e: {  	_ =	shalt  }
0x3f: {  	_ =	shalt  }
0x40: {  	_ =	shalt  }
0x41: {  	_ =	shalt  }
0x42: {  	_ =	shalt  }
0x43: {  	_ =	shalt  }
0x44: {  	_ =	shalt  }
0x45: {  	_ =	shalt  }
0x46: {  	_ =	shalt  }
0x47: {  	_ =	shalt  }
0x48: {  	_ =	shalt  }
0x49: {  	_ =	shalt  }
0x4a: {  	_ =	shalt  }
0x4b: {  	_ =	shalt  }
0x4c: {  	_ =	shalt  }
0x4d: {  	_ =	shalt  }
0x4e: {  	_ =	shalt  }
0x4f: {  	_ =	shalt  }
0x50: {  	_ =	shalt  }
0x51: {  	_ =	shalt  }
0x52: {  	_ =	shalt  }
0x53: {  	_ =	shalt  }
0x54: {  	_ =	shalt  }
0x55: {  	_ =	shalt  }
0x56: {  	_ =	shalt  }
0x57: {  	_ =	shalt  }
0x58: {  	_ =	shalt  }
0x59: {  	_ =	shalt  }
0x5a: {  	_ =	shalt  }
0x5b: {  	_ =	shalt  }
0x5c: {  	_ =	shalt  }
0x5d: {  	_ =	shalt  }
0x5e: {  	_ =	shalt  }
0x5f: {  	_ =	shalt  }
0x60: {  	_ =	shalt  }
0x61: {  	_ =	shalt  }
0x62: {  	_ =	shalt  }
0x63: {  	_ =	shalt  }
0x64: {  	_ =	shalt  }
0x65: {  	_ =	shalt  }
0x66: {  	_ =	shalt  }
0x67: {  	_ =	shalt  }
0x68: {  	_ =	shalt  }
0x69: {  	_ =	shalt  }
0x6a: {  	_ =	shalt  }
0x6b: {  	_ =	shalt  }
0x6c: {  	_ =	shalt  }
0x6d: {  	_ =	shalt  }
0x6e: {  	_ =	shalt  }
0x6f: {  	_ =	shalt  }
0x70: {  	_ =	shalt  }
0x71: {  	_ =	shalt  }
0x72: {  	_ =	shalt  }
0x73: {  	_ =	shalt  }
0x74: {  	_ =	shalt  }
0x75: {  	_ =	shalt  }
0x76: {  	_ =	shalt  }
0x77: {  	_ =	shalt  }
0x78: {  	_ =	shalt  }
0x79: {  	_ =	shalt  }
0x7a: {  	_ =	shalt  }
0x7b: {  	_ =	shalt  }
0x7c: {  	_ =	shalt  }
0x7d: {  	_ =	shalt  }
0x7e: {  	_ =	shalt  }
0x7f: {  	_ =	shalt  }
0x80: {  	_ =	shalt  }
0x81: {  	_ =	shalt  }
0x82: {  	_ =	shalt  }
0x83: {  	_ =	shalt  }
0x84: {  	_ =	shalt  }
0x85: {  	_ =	shalt  }
0x86: {  	_ =	shalt  }
0x87: {  	_ =	shalt  }
.Lfunc_end0:
.L_simem_size_0:
called_computation.1_lowered:
.L_overlay_start_0:
0x88: {  	s2 =	sld [smem:$0x3FD9]  }
0x89: {  	s3 =	sld [smem:$0x3FFE];
	_ =	sdelay $0x1  }
0x8a: {  	s1 =	srdreg.scid  }
0x8b: {  	s0 =	sand.u32 $0x1, s1  }
0x8c: {  	s17 =	sshll.u32 s0, $0xA;
	s2 =	sadd.s32 s3, s2  }
0x8d: {  	s2 =	sadd.s32 s2, s17  }
0x8e: {  	[smem:$0x3FC3] =	sst s2  }
0x8f: {  	_ = 	snop  }
0x90: {  	s2 =	sld [smem:$0x3FD0];
	(tm) =	ssettm $0x1  }
0x91: {  	s18 =	sld [smem:$0x3FFB];
	_ =	sdelay $0x3  }
0x92: {  	_ =	strace s18  }
0x93: {  	s3 =	sld [smem:$0x3FFC];
	_ =	sdelay $0x3  }
0x94: {  	_ =	strace s3  }
0x95: {  	s3 =	sld [smem:$0x3FFD];
	_ =	sdelay $0x3  }
0x96: {  	_ =	strace s3  }
0x97: {  	_ =	strace $0x8FFFFFFF  }
0x98: {  	s19 =	sld [smem:$0x3FDB];
	_ =	sdelay $0x1  }
0x99: {  	s4 =	simm.s32 $_scs_section_size  }
0x9a: {  	s5 =	simm.s32 $_size__tile_overlayer_lowered;
	s6 =	simm.s32 $_tile_overlayer_lowered  }
0x9b: {  	s22 =	simm.s32 $0x1BFF;
	s21 =	sshll.u32 s6, $0x1;
	s3 =	sadd.s32 s4, s19  }
0x9c: {  	s7 =	simm.s32 $0x0;
	s20 =	sshll.u32 s5, $0x1;
	s5 =	sadd.s32 s21, s3  }
0x9d: {  	[timem:s7], [sflag:s22] =	dma.local [hbm:s5], s20  }
0x9e: {  	_ =	swait.ge [sflag:s22], s20  }
0x9f: {  	s4 =	ssub.s32 $0x0, s20;
	[sflag:s22] =	ssyncset.done $0x0  }
0xa0: {  	[sflag:s22] =	ssyncadd.s32 s4;
	_ =	sdelay $0x1  }
0xa1: {  	s23 =	simm.s32 $0x1B8B  }
0xa2: {  	_ =	swait.ge [sflag:s23], $0x1  }
0xa3: {  	[sflag:s23] =	ssyncset.done $0x0  }
0xa4: {  	s25 =	simm.s32 $0x1B8E;
	s24 =	sld [smem:$0x3FFE];
	[sflag:s23] =	ssyncadd.s32 $0xFFFFFFFF  }
0xa5: {  	s26 =	simm.s32 $execute0_lowered;
	[smem:$0x3FD2] =	sst s25  }
0xa6: {  	s5 =	sshll.u32 s26, $0x1;
	_ =	strace $0x80000046;
	[dreg:$0x1] =	wrdreg $0xFFFFFFFF  }
0xa7: {  	s28 =	simm.s32 $_size_execute0_lowered;
	s3 =	sadd.s32 s3, s5;
	[dreg:$0x0] =	wrdreg $0x0  }
0xa8: {  	s5 =	sshll.u32 s28, $0x1;
	[dreg:$0x2] =	wrdreg s3  }
0xa9: {  	[dreg:$0x3] =	wrdreg s5  }
0xaa: {  	[dreg:$0x4] =	wrdreg $0xC0  }
0xab: {  	_ =	task [dreg:s7], $0x5FFFF  }
0xac: {  	[dreg:$0x1] =	wrdreg $0xFFFFFFFF  }
0xad: {  	[dreg:$0x0] =	wrdreg $0x60  }
0xae: {  	[dreg:$0x2] =	wrdreg s2  }
0xaf: {  	[dreg:$0x3] =	wrdreg s24  }
0xb0: {  	[dreg:$0x4] =	wrdreg $0x9  }
0xb1: {  	_ =	task.clear_ibuf [dreg:s7], $0x5FFFF;
	_ =	strace $0x90000046  }
0xb2: {  	s29 =	simm.s32 $0x9;
	_ =	strace $0x80000048  }
0xb3: {  	_ =	swait.ge [sflag:s29], $0x1  }
0xb4: {  	[sflag:s29] =	ssyncadd.s32 $0xFFFFFFFF  }
0xb5: {  	_ =	strace $0x90000048  }
0xb6: {  	_ =	sfence  }
0xb7: {  	s30 =	sld [smem:$0x0];
	_ =	sdelay $0x2  }
0xb8: {  	s31 =	sshll.u32 s1, $0xD;
	s1 =	sshrl.u32 s1, $0x2  }
0xb9: {  	s3 =	sand.u32 $0x4000, s31;
	s1 =	sadd.s32 s1, s30  }
0xba: {  	s0 =	sor.u32 s3, s0;
	s1 =	sshll.u32 s1, $0x11  }
0xbb: {  	s0 =	sor.u32 s1, s0  }
0xbc: {  	s0 =	sadd.s32 $0x8F2B, s0  }
0xbd: {  	[sflag:s0] =	ssyncadd.remote.s32 $0x1  }
0xbe: {  	_ =	sfence.sel $0xFFFF  }
0xbf: {  	[dreg:$0x0] =	wrdreg $0xFFFFFFFF;
	(pc) =	sbr.abs _section_cstart, $3  }
0xc0: {  	[dreg:$0x1] =	wrdreg $0xFFFFFFFF  }
0xc1: {  	_ =	task.clear_ibuf [dreg:s7], $0x2FFFF;
	_ =	strace $0x9FFFFFFF  }
0xc2: {  	(tm) =	ssettm $0x7FFFFFFF  }
0xc3: {  	_ =	shalt  }
tec
execute0_lowered:
.L_overlay_start_1:
0x0: {  	(tag) =	ssettag $0x1  }
0x1: {  	s5 =	rddreg [dreg:$0x0]  }
0x2: {  	s4 =	rddreg [dreg:$0x1]  }
0x3: {  	s0 =	rddreg [dreg:$0x2]  }
0x4: {  	s2 =	simm.s32 $0x0;
	s1 =	stileid.u32;
	s3 =	srdreg.scid  }
0x5: {  	s12 =	simm.s32 $0x4200;
	s13 =	simm.s32 $0x180;
	s14 =	simm.s32 $0x6200  }
0x6: {  	s15 =	simm.s32 $0x1;
	s16 =	simm.s32 $0x0;
	s6 =	smul.u32 $0x64000, s1  }
0x7: {  	[smem:$0x7FF] =	sst s2;
	s7 =	sand.u32 $0x1, s3;
	s11 =	smul.u32 $0x1900, s1  }
0x8: {  	s3 =	sadd.s32 $0xF43600, s4;
	s8 =	ssub.s32 $0x2, s7;
	s9 =	smul.u32 $0x32000, s7  }
0x9: {  	_ =	strace $0x80000047;
	s7 =	smul.u32 $0xC80, s7;
	s10 =	sshrl.u32 s8, $0x1  }
0xa: {  	s6 =	sadd.s32 s6, s4;
	s31 =	sadd.s32 s11, s5;
	s11 =	simm.s32 $0x100  }
0xb: {  	s30 =	ssub.s32 s8, s10;
	s6 =	sadd.s32 s9, s6;
	s8 =	simm.s32 $0x80  }
0xc: {  	s9 =	simm.s32 $0x200;
	s10 =	simm.s32 $0x2200;
	s4 =	smax.u32 s30, $0x1  }
0xd: {  	s5 =	sadd.s32 $0x1200, s6;
	s6 =	sadd.s32 s7, s31;
	s7 =	simm.s32 $0x2  }
.LBB2_1:
0xe: {  	s17 =	sadd.s32 $0x0, s6  }
0xf: {  	[tilespmem:s2], [sflag:$0x2] =	stream.linear.gather [hbm4b:s17+s2], $0x200, $0x38;
	[tilespmem:$0x8200] =	vst v63  }
0x10: {  	_ =	swait.ge [sflag:s7], $0x200  }
0x11: {  	[sflag:s7] =	ssyncset.done $0x0  }
0x12: {  	[sflag:s7] =	ssyncadd.s32 $0xFFFFFE00  }
0x13: {  	[tilespmem:s9], [sflag:$0x1] =	stream.indirect.gather [hbm4b:s3+s8], $0x40, s2, s8, $0xb8;
	[tilespmem:$0x8200] =	vst v63  }
0x14: {  	_ = 	snop  }
0x15: {  	[tilespmem:s10], [sflag:$0x1] =	stream.indirect.gather [hbm4b:s3+s8], $0x40, s8, s8, $0xb8;
	[tilespmem:$0x8200] =	vst v63  }
0x16: {  	_ = 	snop  }
0x17: {  	[tilespmem:s12], [sflag:$0x1] =	stream.indirect.gather [hbm4b:s3+s8], $0x40, s11, s8, $0xb8;
	[tilespmem:$0x8200] =	vst v63  }
0x18: {  	_ = 	snop  }
0x19: {  	[tilespmem:s14], [sflag:$0x1] =	stream.indirect.gather [hbm4b:s3+s8], $0x40, s13, s8, $0xb8;
	[tilespmem:$0x8200] =	vst v63  }
0x1a: {  	_ =	swait.ge [sflag:s15], $0x2000  }
0x1b: {  	[sflag:s15] =	ssyncset.done $0x0  }
0x1c: {  	[sflag:s15] =	ssyncadd.s32 $0xFFFFE000  }
0x1d: {  	_ =	swait.ge [sflag:s15], $0x2000  }
0x1e: {  	[sflag:s15] =	ssyncset.done $0x0  }
0x1f: {  	[sflag:s15] =	ssyncadd.s32 $0xFFFFE000  }
0x20: {  	_ =	swait.ge [sflag:s15], $0x2000  }
0x21: {  	[sflag:s15] =	ssyncset.done $0x0  }
0x22: {  	[sflag:s15] =	ssyncadd.s32 $0xFFFFE000  }
0x23: {  	_ =	swait.ge [sflag:s15], $0x2000  }
0x24: {  	[sflag:s15] =	ssyncset.done $0x0  }
0x25: {  	[sflag:s15] =	ssyncadd.s32 $0xFFFFE000  }
0x26: {  	[hbm4b:s5+s2] =	stream.linear.scatter [tilespmem:s9], [sflag:$0x2], $0x8000, $0x38;
	[tilespmem:$0x8200] =	vst v63  }
0x27: {  	s18 =	simm.s32 $0x40;
	_ =	swait.ge [sflag:s7], $0x8000  }
0x28: {  	s19 =	simm.s32 $0x80;
	s17 =	sadd.s32 $0x1000, s5;
	[sflag:s7] =	ssyncset.done $0x0  }
.LBB2_2:
0x29: {  	s20 =	sadd.s32 s18, s6  }
0x2a: {  	[sflag:s7] =	ssyncadd.s32 $0xFFFF8000;
	s18 =	smov.u32 s19;
	s21 =	sadd.s32 $0x40, s19  }
0x2b: {  	[tilespmem:s2], [sflag:$0x2] =	stream.linear.gather [hbm4b:s20+s2], $0x200, $0x38;
	[tilespmem:$0x8200] =	vst v63  }
0x2c: {  	p0 =	sne.s32 s19, $0xC40;
	_ =	swait.ge [sflag:s7], $0x200  }
0x2d: {  	[sflag:s7] =	ssyncset.done $0x0  }
0x2e: {  	[sflag:s7] =	ssyncadd.s32 $0xFFFFFE00  }
0x2f: {  	[tilespmem:s9], [sflag:$0x1] =	stream.indirect.gather [hbm4b:s3+s8], $0x40, s2, s8, $0xb8;
	[tilespmem:$0x8200] =	vst v63  }
0x30: {  	_ = 	snop  }
0x31: {  	[tilespmem:s10], [sflag:$0x1] =	stream.indirect.gather [hbm4b:s3+s8], $0x40, s8, s8, $0xb8;
	[tilespmem:$0x8200] =	vst v63  }
0x32: {  	_ = 	snop  }
0x33: {  	[tilespmem:s12], [sflag:$0x1] =	stream.indirect.gather [hbm4b:s3+s8], $0x40, s11, s8, $0xb8;
	[tilespmem:$0x8200] =	vst v63  }
0x34: {  	_ = 	snop  }
0x35: {  	[tilespmem:s14], [sflag:$0x1] =	stream.indirect.gather [hbm4b:s3+s8], $0x40, s13, s8, $0xb8;
	[tilespmem:$0x8200] =	vst v63  }
0x36: {  	_ =	swait.ge [sflag:s15], $0x2000  }
0x37: {  	[sflag:s15] =	ssyncset.done $0x0  }
0x38: {  	[sflag:s15] =	ssyncadd.s32 $0xFFFFE000  }
0x39: {  	_ =	swait.ge [sflag:s15], $0x2000  }
0x3a: {  	[sflag:s15] =	ssyncset.done $0x0  }
0x3b: {  	[sflag:s15] =	ssyncadd.s32 $0xFFFFE000  }
0x3c: {  	_ =	swait.ge [sflag:s15], $0x2000  }
0x3d: {  	[sflag:s15] =	ssyncset.done $0x0  }
0x3e: {  	[sflag:s15] =	ssyncadd.s32 $0xFFFFE000  }
0x3f: {  	_ =	swait.ge [sflag:s15], $0x2000  }
.Ltmp0:
0x40: {  	[sflag:s15] =	ssyncset.done $0x0;
	(pc) =	sbr.rel @p0 .LBB2_2-.Ltmp0, $4  }
0x41: {  	[sflag:s15] =	ssyncadd.s32 $0xFFFFE000  }
0x42: {  	[hbm4b:s17+s2] =	stream.linear.scatter [tilespmem:s9], [sflag:$0x2], $0x8000, $0x38;
	[tilespmem:$0x8200] =	vst v63  }
0x43: {  	_ =	swait.ge [sflag:s7], $0x8000  }
0x44: {  	s19 =	smov.u32 s21;
	s17 =	sadd.s32 $0x1000, s17;
	[sflag:s7] =	ssyncset.done $0x0  }
0x45: {  	s18 =	sadd.s32 s18, s6;
	[sflag:s7] =	ssyncadd.s32 $0xFFFF8000  }
0x46: {  	[tilespmem:s2], [sflag:$0x2] =	stream.linear.gather [hbm4b:s18+s2], $0x200, $0x38;
	[tilespmem:$0x8200] =	vst v63  }
0x47: {  	_ =	swait.ge [sflag:s7], $0x200  }
0x48: {  	[sflag:s7] =	ssyncset.done $0x0  }
0x49: {  	[sflag:s7] =	ssyncadd.s32 $0xFFFFFE00  }
0x4a: {  	[tilespmem:s9], [sflag:$0x1] =	stream.indirect.gather [hbm4b:s3+s8], $0x40, s2, s8, $0xb8;
	[tilespmem:$0x8200] =	vst v63  }
0x4b: {  	_ = 	snop  }
0x4c: {  	[tilespmem:s10], [sflag:$0x1] =	stream.indirect.gather [hbm4b:s3+s8], $0x40, s8, s8, $0xb8;
	[tilespmem:$0x8200] =	vst v63  }
0x4d: {  	_ = 	snop  }
0x4e: {  	[tilespmem:s12], [sflag:$0x1] =	stream.indirect.gather [hbm4b:s3+s8], $0x40, s11, s8, $0xb8;
	[tilespmem:$0x8200] =	vst v63  }
0x4f: {  	_ = 	snop  }
0x50: {  	[tilespmem:s14], [sflag:$0x1] =	stream.indirect.gather [hbm4b:s3+s8], $0x40, s13, s8, $0xb8;
	[tilespmem:$0x8200] =	vst v63  }
0x51: {  	_ =	swait.ge [sflag:s15], $0x2000  }
0x52: {  	[sflag:s15] =	ssyncset.done $0x0  }
0x53: {  	[sflag:s15] =	ssyncadd.s32 $0xFFFFE000  }
0x54: {  	_ =	swait.ge [sflag:s15], $0x2000  }
0x55: {  	[sflag:s15] =	ssyncset.done $0x0  }
0x56: {  	[sflag:s15] =	ssyncadd.s32 $0xFFFFE000  }
0x57: {  	_ =	swait.ge [sflag:s15], $0x2000  }
0x58: {  	[sflag:s15] =	ssyncset.done $0x0  }
0x59: {  	[sflag:s15] =	ssyncadd.s32 $0xFFFFE000  }
0x5a: {  	s16 =	sadd.s32 $0x1, s16;
	_ =	swait.ge [sflag:s15], $0x2000  }
0x5b: {  	p0 =	sne.s32 s16, s4;
	[sflag:s15] =	ssyncset.done $0x0  }
.Ltmp1:
0x5c: {  	[sflag:s15] =	ssyncadd.s32 $0xFFFFE000;
	(pc) =	sbr.rel @p0 .LBB2_1-.Ltmp1, $4  }
0x5d: {  	[hbm4b:s17+s2] =	stream.linear.scatter [tilespmem:s9], [sflag:$0x2], $0x8000, $0x38;
	[tilespmem:$0x8200] =	vst v63  }
0x5e: {  	_ =	swait.ge [sflag:s7], $0x8000  }
0x5f: {  	[sflag:s7] =	ssyncset.done $0x0  }
0x60: {  	[sflag:s7] =	ssyncadd.s32 $0xFFFF8000  }
0x61: {  	_ =	sfence.sel $0x180000  }
0x62: {  	[bflag:$0x0] =	sbarrier.arrive $0xFFFF  }
0x63: {  	p0 =	sne.s32 s1, $0x0;
	_ =	strace $0x90000047  }
0x64: {  	s0 =	sadd.s32 @!p0 $0x100000, s0;
	[bflag:$0x2] =	sbarrier.arrive $0xFFFF  }
0x65: {  	[sflag:s0] =	ssyncadd.tile.s32 @!p0 $0x1;
	_ =	shalt  }
.Lfunc_end2:
_tile_overlayer_lowered:
.L_overlay_start_2:
0x66: {  	(tag) =	ssettag $0x2  }
0x67: {  	s0 =	rddreg [dreg:$0x0];
	s2 =	stileid.u32  }
0x68: {  	s1 =	rddreg [dreg:$0x1];
	p0 =	sne.s32 s2, $0x0  }
0x69: {  	s3 =	rddreg [dreg:$0x2];
	[bflag:$0x3] =	sbarrier.arrive $0xFFFF;
	s2 =	simm.s32 @!p0 $0x1C02  }
0x6a: {  	[timem:s3], [sflag:s2] =	dma.local @!p0 [hbm:s0], s1  }
0x6b: {  	s0 =	simm.s32 @!p0 $0x2  }
0x6c: {  	_ =	swait.ge @!p0 [sflag:s0], s1  }
0x6d: {  	s1 =	ssub.s32 @!p0 $0x0, s1;
	[sflag:s0] =	ssyncset.done @!p0 $0x0  }
0x6e: {  	[sflag:s0] =	ssyncadd.s32 @!p0 s1  }
0x6f: {  	[bflag:$0x3] =	sbarrier.arrive $0xFFFF  }
0x70: {  	_ =	shalt  }

// kernel: sparse-core-data-format-call.cloned.1.call-start
scs
called_computation_lowered:
.L_overlay_start_0:
0x0: {  	s2 =	sld [smem:$0x3FD9]  }
0x1: {  	s3 =	sld [smem:$0x3FFE];
	_ =	sdelay $0x1  }
0x2: {  	s1 =	srdreg.scid  }
0x3: {  	s0 =	sand.u32 $0x1, s1  }
0x4: {  	s18 =	sshll.u32 s0, $0xA;
	s2 =	sadd.s32 s3, s2  }
0x5: {  	s2 =	sadd.s32 s2, s18  }
0x6: {  	[smem:$0x3FC3] =	sst s2  }
0x7: {  	_ = 	snop  }
0x8: {  	s2 =	sld [smem:$0x3FD0];
	(tm) =	ssettm $0x1  }
0x9: {  	s19 =	sld [smem:$0x3FFB];
	_ =	sdelay $0x3  }
0xa: {  	_ =	strace s19  }
0xb: {  	s3 =	sld [smem:$0x3FFC];
	_ =	sdelay $0x3  }
0xc: {  	_ =	strace s3  }
0xd: {  	s3 =	sld [smem:$0x3FFD];
	_ =	sdelay $0x3  }
0xe: {  	_ =	strace s3  }
0xf: {  	_ =	strace $0x8FFFFFFF  }
0x10: {  	s20 =	sld [smem:$0x3FDB];
	_ =	sdelay $0x1  }
0x11: {  	s4 =	simm.s32 $_scs_section_size  }
0x12: {  	s5 =	simm.s32 $_size__tile_overlayer_lowered;
	s6 =	simm.s32 $_tile_overlayer_lowered  }
0x13: {  	s23 =	simm.s32 $0x1BFF;
	s22 =	sshll.u32 s6, $0x1;
	s3 =	sadd.s32 s4, s20  }
0x14: {  	s7 =	simm.s32 $0x0;
	s21 =	sshll.u32 s5, $0x1;
	s5 =	sadd.s32 s22, s3  }
0x15: {  	[timem:s7], [sflag:s23] =	dma.local [hbm:s5], s21  }
0x16: {  	_ =	swait.ge [sflag:s23], s21  }
0x17: {  	s4 =	ssub.s32 $0x0, s21;
	[sflag:s23] =	ssyncset.done $0x0  }
0x18: {  	[sflag:s23] =	ssyncadd.s32 s4;
	_ =	sdelay $0x1  }
0x19: {  	s24 =	simm.s32 $0x1B8B  }
0x1a: {  	_ =	swait.ge [sflag:s24], $0x1  }
0x1b: {  	[sflag:s24] =	ssyncset.done $0x0  }
0x1c: {  	s26 =	simm.s32 $0x1B8E;
	s25 =	sld [smem:$0x3FFE];
	[sflag:s24] =	ssyncadd.s32 $0xFFFFFFFF  }
0x1d: {  	s27 =	simm.s32 $execute0_lowered;
	[smem:$0x3FD2] =	sst s26  }
0x1e: {  	s5 =	sshll.u32 s27, $0x1;
	_ =	strace $0x80000049;
	[dreg:$0x1] =	wrdreg $0xFFFFFFFF  }
0x1f: {  	s28 =	simm.s32 $_size_execute0_lowered;
	s3 =	sadd.s32 s3, s5;
	[dreg:$0x0] =	wrdreg $0x0  }
0x20: {  	s5 =	sshll.u32 s28, $0x1;
	[dreg:$0x2] =	wrdreg s3  }
0x21: {  	[dreg:$0x3] =	wrdreg s5  }
0x22: {  	[dreg:$0x4] =	wrdreg $0xC0  }
0x23: {  	_ =	task [dreg:s7], $0x5FFFF  }
0x24: {  	[dreg:$0x1] =	wrdreg $0xFFFFFFFF  }
0x25: {  	[dreg:$0x0] =	wrdreg $0x60  }
0x26: {  	[dreg:$0x2] =	wrdreg s25  }
0x27: {  	[dreg:$0x3] =	wrdreg s2  }
0x28: {  	[dreg:$0x4] =	wrdreg $0x9  }
0x29: {  	_ =	task.clear_ibuf [dreg:s7], $0x5FFFF;
	_ =	strace $0x90000049  }
0x2a: {  	s29 =	simm.s32 $0x9;
	_ =	strace $0x8000004B  }
0x2b: {  	_ =	swait.ge [sflag:s29], $0x1  }
0x2c: {  	[sflag:s29] =	ssyncadd.s32 $0xFFFFFFFF  }
0x2d: {  	_ =	strace $0x9000004B  }
0x2e: {  	_ =	sfence  }
0x2f: {  	s30 =	sld [smem:$0x0];
	_ =	sdelay $0x2  }
0x30: {  	s31 =	sshll.u32 s1, $0xD;
	s1 =	sshrl.u32 s1, $0x2  }
0x31: {  	s3 =	sand.u32 $0x4000, s31;
	s1 =	sadd.s32 s1, s30  }
0x32: {  	s0 =	sor.u32 s3, s0;
	s1 =	sshll.u32 s1, $0x11  }
0x33: {  	s0 =	sor.u32 s1, s0  }
0x34: {  	s0 =	sadd.s32 $0x8F2B, s0  }
0x35: {  	[sflag:s0] =	ssyncadd.remote.s32 $0x1  }
0x36: {  	_ =	sfence.sel $0xFFFF  }
0x37: {  	[dreg:$0x0] =	wrdreg $0xFFFFFFFF;
	(pc) =	sbr.abs _section_cstart, $3  }
0x38: {  	[dreg:$0x1] =	wrdreg $0xFFFFFFFF  }
0x39: {  	_ =	task.clear_ibuf [dreg:s7], $0x2FFFF;
	_ =	strace $0x9FFFFFFF  }
0x3a: {  	(tm) =	ssettm $0x7FFFFFFF  }
0x3b: {  	_ =	shalt  }
tec
execute0_lowered:
.L_overlay_start_1:
0x0: {  	(tag) =	ssettag $0x1  }
0x1: {  	s0 =	srdreg.scid  }
0x2: {  	s1 =	sshll.u32 s0, $0x4  }
0x3: {  	s0 =	stileid.u32;
	s1 =	sand.u32 $0x10, s1  }
0x4: {  	s1 =	sor.u32 s0, s1  }
0x5: {  	s6 =	rddreg [dreg:$0x0];
	s4 =	simm.s32 $0x1;
	s2 =	sshll.u32 s1, $0x7  }
0x6: {  	s7 =	simm.s32 $0x2;
	s12 =	simm.s32 $0x0;
	s1 =	ssub.s32 $0x1000, s2  }
0x7: {  	s8 =	simm.s32 $0x8000;
	s13 =	simm.s32 $0x0;
	s3 =	sand.u32 $0xF80, s1  }
0x8: {  	s9 =	simm.s32 $0x0;
	s5 =	sshrl.u32 s1, $0xC;
	p0 =	sne.s32 s3, $0x0  }
.Ltmp0:
0x9: {  	s1 =	rddreg [dreg:$0x2];
	s4 =	simm.s32 @!p0 $0x0;
	(pc) =	sbr.rel .LBB1_1-.Ltmp0, $4  }
0xa: {  	s11 =	simm.s32 $0x0;
	s3 =	rddreg [dreg:$0x1];
	s5 =	sadd.s32 s4, s5  }
0xb: {  	_ =	strace $0x8000004A;
	s4 =	simm.s32 $0x1;
	s5 =	smul.u32 $0xC8, s5  }
0xc: {  	s6 =	sadd.s32 $0x1200, s6;
	s10 =	smov.u32 s2;
	[sflag:s4] =	ssyncpa.u1 $0x0  }
0xd: {  	p0 =	por $0x0, $0x0;
	[sflag:s7] =	ssyncpa.u1 $0x0;
	s7 =	sor.u32 $0x1, s5  }
.LBB1_4:
0xe: {  	s16 =	sshll.u32 s13, $0x3;
	s17 =	sand.u32 $0x78, s13  }
0xf: {  	s30 =	sand.u32 $0x7E00, s13;
	s12 =	sshll.u32 s12, $0xF;
	s16 =	sand.u32 $0xC00, s16  }
0x10: {  	[tilespmem:s15+$0x810 ss:$0x81] =	vst.msk $0xffff, v2;
	s31 =	sand.u32 $0x7, s13;
	s16 =	sor.u32 s17, s16;
	s17 =	sadd.s32 s3, s30  }
0x11: {  	[tilespmem:s15+$0x1020 ss:$0x81] =	vst.msk $0xffff, v0;
	s13 =	sshll.u32 s31, $0x12;
	s12 =	sadd.s32 s12, s17;
	s16 =	sshrl.u32 s16, $0x3  }
0x12: {  	[tilespmem:s15+$0x0 ss:$0x81] =	vst.msk $0xffff, v1;
	s13 =	sor.u32 $0x400, s13;
	s12 =	sadd.s32 s16, s12  }
0x13: {  	[hbm4b:s12+s13] =	stream.strided.scatter [tilespmem:s14], [sflag:$0x2], $0x2000, s8, s13, $0x20;
	[tilespmem:$0x8080] =	vst v63  }
.LBB1_5:
0x14: {  	s14 =	sadd.s32 $0x1, s9  }
0x15: {  	s12 =	sadd.s32 $0x1000, s10;
	s16 =	smov.u32 s10;
	p2 =	sgt.s32 s14, $0xC7  }
0x16: {  	s16 =	smov.u32 @p2 s12  }
0x17: {  	s14 =	simm.s32 @p2 $0x0;
	p2 =	sgt.s32 s16, $0xFFF  }
0x18: {  	s16 =	smov.u32 @p2 s2;
	p2 =	sne.s32 s11, s7  }
.Ltmp1:
0x19: {  	p1 =	slt.u32 s11, $0x2;
	(pc) =	sbr.rel @!p2 .LBB1_6-.Ltmp1, $4  }
0x1a: {  	s15 =	simm.s32 @!p1 $0x2  }
0x1b: {  	s13 =	smov.u32 s10;
	p0 =	por !p0, !p0;
	_ =	swait.ge @!p1 [sflag:s15], $0x2000  }
0x1c: {  	s12 =	smov.u32 s9;
	[sflag:s15] =	ssyncset.done @!p1 $0x0;
	s9 =	smov.u32 s14  }
0x1d: {  	s11 =	sadd.s32 $0x1, s11;
	[sflag:s15] =	ssyncadd.s32 @!p1 $0xFFFFE000;
	s10 =	smov.u32 s16  }
.LBB1_1:
0x1e: {  	p1 =	sge.u32 s11, s5  }
0x1f: {  	s14 =	sand.u32 @!p1 $0x1FFFFFF, s9  }
0x20: {  	s15 =	smulhi.u32 @!p1 $0x147AE15, s14;
	_ =	sdelay $0x1  }
0x21: {  	s15 =	smul.u32 @!p1 $0xC8, s15  }
0x22: {  	s16 =	sxor.u32 @!p1 $0xFFFFFFFF, s11;
	s17 =	smul.u32 @!p1 $0xC80, s10  }
0x23: {  	s31 =	sadd.s32 $0xFFFFFFFF, s11;
	s16 =	sshll.u32 @!p1 s16, $0xD;
	s14 =	ssub.s32 @!p1 s14, s15  }
0x24: {  	s15 =	sand.u32 @!p1 $0x2000, s16;
	s16 =	sadd.s32 @!p1 s6, s17;
	s14 =	sshll.u32 @!p1 s14, $0x4  }
0x25: {  	s17 =	simm.s32 @!p1 $0x6400;
	s14 =	sadd.s32 @!p1 s14, s16;
	s16 =	simm.s32 @!p1 $0x40  }
0x26: {  	[tilespmem:s15], [sflag:$0x1] =	stream.strided.gather @!p1 [hbm4b:s14+s16], $0x2000, s17, s16, $0x38;
	[tilespmem:$0x8080] =	vst v63  }
0x27: {  	p1 =	sge.u32 s31, s5  }
.Ltmp2:
0x28: {  	_ = 	snop;
	(pc) =	sbr.rel @p1 .LBB1_5-.Ltmp2, $1  }
0x29: {  	_ =	sdelay $0x3  }
0x2a: {  	s14 =	simm.s32 $0x1  }
0x2b: {  	_ =	swait.ge [sflag:s4], $0x2000;
	s14 =	simm.s32 @!p0 $0x0  }
0x2c: {  	[sflag:s4] =	ssyncset.done $0x0;
	s15 =	sshll.u32 s14, $0xD  }
0x2d: {  	[sflag:s4] =	ssyncadd.s32 $0xFFFFE000;
	s18 =	sor.u32 $0x20, s15  }
0x2e: {  	s14 =	smul.u32 $0x8100, s14;
	v3 =	vld [tilespmem:s18+$0x10]  }
0x2f: {  	s30 =	sand.u32 $0x1, s11;
	v2 =	vld [tilespmem:s18+$0xFFFFFFF0]  }
0x30: {  	s15 =	smul.u32 $0x8100, s30;
	s14 =	sshrl.u32 s14, $0x2;
	v0 =	vld [tilespmem:s18+$0x0]  }
0x31: {  	v1 =	vld [tilespmem:s18+$0xFFFFFFE0];
	s16 =	sor.u32 $0x4000, s14  }
0x32: {  	s31 =	sshrl.u32 s15, $0x2;
	s15 =	sadd.s32 $0x0, s16  }
0x33: {  	s17 =	simm.s32 $0x4;
	s18 =	sadd.s32 $0x40, s18;
	s14 =	sor.u32 $0x4000, s31;
	[tilespmem:s15+$0x1830 ss:$0x81] =	vst.msk $0xffff, v3  }
.LBB1_3:
0x34: {  	v3 =	vld [tilespmem:s18+$0x10];
	p1 =	sne.s32 s17, $0x1FC;
	[tilespmem:s15+$0x810 ss:$0x81] =	vst.msk $0xffff, v2;
	s19 =	smov.u32 s17;
	s17 =	sadd.s32 $0x4, s17  }
.Ltmp3:
0x35: {  	v2 =	vld [tilespmem:s18+$0xFFFFFFF0];
	[tilespmem:s15+$0x1020 ss:$0x81] =	vst.msk $0xffff, v0;
	(pc) =	sbr.rel @p1 .LBB1_3-.Ltmp3, $4  }
0x36: {  	v0 =	vld [tilespmem:s18+$0x0];
	[tilespmem:s15+$0x0 ss:$0x81] =	vst.msk $0xffff, v1  }
0x37: {  	s15 =	sshra.s32 s19, $0x2;
	v1 =	vld [tilespmem:s18+$0xFFFFFFE0]  }
0x38: {  	s15 =	sadd.s32 s15, s16  }
0x39: {  	s18 =	sadd.s32 $0x40, s18;
	[tilespmem:s15+$0x1830 ss:$0x81] =	vst.msk $0xffff, v3  }
.Ltmp4:
0x3a: {  	_ = 	snop;
	(pc) =	sbr.rel .LBB1_4-.Ltmp4, $1  }
0x3b: {  	_ =	sdelay $0x3  }
.LBB1_6:
0x3c: {  	_ =	sfence.sel $0x180000  }
0x3d: {  	s2 =	simm.s32 $0x1;
	[bflag:$0x0] =	sbarrier.arrive $0xFFFF  }
0x3e: {  	s31 =	simm.s32 $0x2;
	[sflag:s2] =	ssyncpa.u1 $0x1  }
0x3f: {  	[sflag:s31] =	ssyncpa.u1 $0x1  }
0x40: {  	p0 =	sne.s32 s0, $0x0;
	_ =	strace $0x9000004A  }
0x41: {  	s0 =	sadd.s32 @!p0 $0x100000, s1;
	[bflag:$0x2] =	sbarrier.arrive $0xFFFF  }
0x42: {  	[sflag:s0] =	ssyncadd.tile.s32 @!p0 $0x1;
	_ =	shalt  }
.Lfunc_end1:
_tile_overlayer_lowered:
.L_overlay_start_2:
0x43: {  	(tag) =	ssettag $0x2  }
0x44: {  	s0 =	rddreg [dreg:$0x0];
	s2 =	stileid.u32  }
0x45: {  	s1 =	rddreg [dreg:$0x1];
	p0 =	sne.s32 s2, $0x0  }
0x46: {  	s3 =	rddreg [dreg:$0x2];
	[bflag:$0x3] =	sbarrier.arrive $0xFFFF;
	s2 =	simm.s32 @!p0 $0x1C01  }
0x47: {  	[timem:s3], [sflag:s2] =	dma.local @!p0 [hbm:s0], s1  }
0x48: {  	s0 =	simm.s32 @!p0 $0x1  }
0x49: {  	_ =	swait.ge @!p0 [sflag:s0], s1  }
0x4a: {  	s1 =	ssub.s32 @!p0 $0x0, s1;
	[sflag:s0] =	ssyncset.done @!p0 $0x0  }
0x4b: {  	[sflag:s0] =	ssyncadd.s32 @!p0 s1  }
0x4c: {  	[bflag:$0x3] =	sbarrier.arrive $0xFFFF  }
0x4d: {  	_ =	shalt  }

</sc_bundles>
